<compile_context>
chip_gen: v7x
topology: tpu7x:2x2x1
jax: 0.10.2.dev20260603
libtpu: 0.0.44.dev20260713+nightly
codegen_flags: <defaults>
</compile_context>

<pallas_src>
import functools

import jax
import jax.numpy as jnp
from jax import lax
from jax.experimental import pallas as pl
from jax.experimental.pallas import tpu as pltpu
from jax.experimental.pallas import tpu_sc as plsc

_NC = 2
_NS = 16
_NW = _NC * _NS
_LANES = 16

_CH0 = 104


def _make_pool_kernel(batch, seq, emb, bpw):
    ch1 = seq - _CH0
    egr = emb // _LANES
    inv = 1.0 / float(seq)
    mesh = plsc.VectorSubcoreMesh(
        core_axis_name="c", subcore_axis_name="s",
        num_cores=_NC, num_subcores=_NS,
    )

    def body(xt_hbm, table_hbm, out_hbm, idx_v, rows_v, stage_v, sem0, sem1):
        wid = lax.axis_index("s") * _NC + lax.axis_index("c")
        base = wid * bpw
        pltpu.sync_copy(xt_hbm.at[pl.ds(base, bpw)], idx_v)

        sems = (sem0, sem1)

        def gather(bl, buf):
            pltpu.async_copy(
                table_hbm.at[idx_v.at[bl, pl.ds(0, _CH0)]],
                rows_v.at[buf, pl.ds(0, _CH0)],
                sems[buf],
            )
            pltpu.async_copy(
                table_hbm.at[idx_v.at[bl, pl.ds(_CH0, ch1)]],
                rows_v.at[buf, pl.ds(_CH0, ch1)],
                sems[buf],
            )

        def wait(bl, buf):
            pltpu.make_async_copy(
                table_hbm.at[idx_v.at[bl, pl.ds(0, _CH0)]],
                rows_v.at[buf, pl.ds(0, _CH0)],
                sems[buf],
            ).wait()
            pltpu.make_async_copy(
                table_hbm.at[idx_v.at[bl, pl.ds(_CH0, ch1)]],
                rows_v.at[buf, pl.ds(_CH0, ch1)],
                sems[buf],
            ).wait()

        gather(0, 0)

        def pair_body(i2, _):
            for b in range(2):
                bl = i2 * 2 + b

                @pl.when(bl + 1 < bpw)
                def _():
                    gather(bl + 1, 1 - b)

                wait(bl, b)

                zero = jnp.zeros((_LANES,), jnp.float32)
                def row_body(s, accs):
                    out = []
                    for d in range(egr):
                        a, c = accs[2 * d], accs[2 * d + 1]
                        sl = pl.ds(d * _LANES, _LANES)
                        a = a + rows_v[b, 2 * s, sl]
                        c = c + rows_v[b, 2 * s + 1, sl]
                        out += [a, c]
                    return tuple(out)

                accs = lax.fori_loop(
                    0, seq // 2, row_body, (zero,) * (2 * egr))
                for d in range(egr):
                    stage_v[bl, pl.ds(d * _LANES, _LANES)] = (
                        accs[2 * d] + accs[2 * d + 1]) * inv
            return 0

        lax.fori_loop(0, bpw // 2, pair_body, 0)
        pltpu.sync_copy(stage_v, out_hbm.at[pl.ds(base, bpw)])

    return pl.kernel(
        body,
        out_type=jax.ShapeDtypeStruct((batch, emb), jnp.float32),
        mesh=mesh,
        compiler_params=pltpu.CompilerParams(use_tc_tiling_on_sc=False),
        scratch_types=[
            pltpu.VMEM((bpw, seq), jnp.int32),
            pltpu.VMEM((2, seq, emb), jnp.float32),
            pltpu.VMEM((bpw, emb), jnp.float32),
            pltpu.SemaphoreType.DMA,
            pltpu.SemaphoreType.DMA,
        ],
    )


def _mlp_body(p_ref, w1_ref, b1_ref, w2_ref, b2_ref, o_ref):
    h = jnp.dot(p_ref[...], w1_ref[...], preferred_element_type=jnp.float32)
    h = jnp.maximum(h + b1_ref[...], 0.0)
    o_ref[...] = (
        jnp.dot(h, w2_ref[...], preferred_element_type=jnp.float32)
        + b2_ref[...])


@jax.jit
def kernel(x, table, W1, b1, W2, b2):
    seq, batch = x.shape
    vocab, emb = table.shape
    hid = W1.shape[1]
    cls = W2.shape[1]
    bpw = batch // _NW

    xt = jnp.transpose(x)
    pooled = _make_pool_kernel(batch, seq, emb, bpw)(xt, table)

    cp = 128
    w2p = jnp.pad(W2, ((0, 0), (0, cp - cls)))
    b2p = jnp.pad(b2, (0, cp - cls))

    bm = 512
    out = pl.pallas_call(
        _mlp_body,
        grid=(batch // bm,),
        in_specs=[
            pl.BlockSpec((bm, emb), lambda i: (i, 0)),
            pl.BlockSpec((emb, hid), lambda i: (0, 0)),
            pl.BlockSpec((1, hid), lambda i: (0, 0)),
            pl.BlockSpec((hid, cp), lambda i: (0, 0)),
            pl.BlockSpec((1, cp), lambda i: (0, 0)),
        ],
        out_specs=pl.BlockSpec((bm, cp), lambda i: (i, 0)),
        out_shape=jax.ShapeDtypeStruct((batch, cp), jnp.float32),
    )(pooled, W1, b1[None, :], w2p, b2p[None, :])
    return out[:, :cls]

# --- scband reference (transcript-rebuilt; emitter-appended) ---
"""Pipeline reference for scband-word-average-model-nn-74938589381063 (READ-ONLY COPY).

The authoritative reference and input builder live on the scoring server;
editing this copy changes nothing except your own understanding.
"""

import jax, jax.numpy as jnp
import numpy as np

VOCAB = 1000000
EMB = 64
HID = 128
CLS = 10
SEQ = 200
BATCH = 4096


def setup_inputs(seed: int = 0) -> dict:
    key = jax.random.key(seed)
    ks = jax.random.split(key, 6)
    x = jax.random.randint(ks[0], (SEQ, BATCH), 0, VOCAB, dtype=jnp.int32)
    table = jax.random.normal(ks[1], (VOCAB, EMB), dtype=jnp.float32) * 0.02
    W1 = jax.random.normal(ks[2], (EMB, HID), dtype=jnp.float32) * (1.0 / np.sqrt(EMB))
    b1 = jnp.zeros((HID,), dtype=jnp.float32)
    W2 = jax.random.normal(ks[3], (HID, CLS), dtype=jnp.float32) * (1.0 / np.sqrt(HID))
    b2 = jnp.zeros((CLS,), dtype=jnp.float32)
    return {"x": x, "table": table, "W1": W1, "b1": b1, "W2": W2, "b2": b2}


def reference(x, table, W1, b1, W2, b2):
    # embedding lookup: [SEQ, BATCH] -> [SEQ, BATCH, EMB]
    emb = jnp.take(table, x, axis=0)
    # permute(1, 0, 2) -> [BATCH, SEQ, EMB]
    h = jnp.transpose(emb, (1, 0, 2))
    # avg_pool2d over (seq, 1) then squeeze -> mean over seq axis: [BATCH, EMB]
    pooled = jnp.mean(h, axis=1)
    # linear_1 + relu
    h1 = jnp.maximum(pooled @ W1 + b1, 0.0)
    # linear_2
    out = h1 @ W2 + b2
    return jnp.squeeze(out)

if __name__ == "__main__":
    import jax
    _d = setup_inputs()
    print(jax.jit(kernel)(*tuple(_d.values())))

</pallas_src>

<mosaic_0001>
#map = affine_map<(d0, d1) -> (0, 0)>
module attributes {stable_mosaic.version = 14 : i64} {
  func.func @body(%arg0: i32, %arg1: i32, %arg2: memref<4096x200xi32, #tpu.memory_space<hbm>>, %arg3: memref<1000000x64xf32, #tpu.memory_space<hbm>>, %arg4: memref<4096x64xf32, #tpu.memory_space<hbm>>, %arg5: memref<128x200xi32, #tpu.memory_space<vmem>>, %arg6: memref<2x200x64xf32, #tpu.memory_space<vmem>>, %arg7: memref<128x64xf32, #tpu.memory_space<vmem>>, %arg8: memref<!tpu.dma_semaphore, #tpu.memory_space<semaphore_mem>>, %arg9: memref<!tpu.dma_semaphore, #tpu.memory_space<semaphore_mem>>) attributes {dimension_semantics = [#tpu.dimension_semantics<core_parallel>, #tpu.dimension_semantics<subcore_parallel>], iteration_bounds = array<i64: 2, 16>, scalar_prefetch = 0 : i64, scratch_operands = 5 : i64, tpu.core_type = #tpu.core_type<sc_vector_subcore>, window_params = [{transform_indices = #map}, {transform_indices = #map}, {transform_indices = #map}]} {
    %mul3A = arith.constant 2 : i32
    %mul3A_0 = arith.muli %arg1, %mul3A : i32
    %add3A = arith.addi %mul3A_0, %arg0 : i32
    %mul3A_1 = arith.constant 128 : i32
    %mul3A_2 = arith.muli %add3A, %mul3A_1 : i32
    "tpu.region"() ({
      %run_scoped3A = tpu.sem_alloc : memref<!tpu.dma_semaphore, #tpu.memory_space<semaphore_mem>>
      %dma_start3A_32 = arith.constant 0 : i32
      %dma_start3A_33 = tpu.memref_slice %arg2[%mul3A_2, %dma_start3A_32] : memref<4096x200xi32, #tpu.memory_space<hbm>> -> memref<128x200xi32, #tpu.memory_space<hbm>>
      %dma_start3A_34 = arith.constant 0 : i32
      %dma_start3A_35 = tpu.memref_slice %arg2[%mul3A_2, %dma_start3A_34] : memref<4096x200xi32, #tpu.memory_space<hbm>> -> memref<128x200xi32, #tpu.memory_space<hbm>>
      tpu.enqueue_dma source(%dma_start3A_35 : memref<128x200xi32, #tpu.memory_space<hbm>>) target(%arg5 : memref<128x200xi32, #tpu.memory_space<vmem>>) target_semaphore(%run_scoped3A : memref<!tpu.dma_semaphore, #tpu.memory_space<semaphore_mem>>)
      %dma_wait3A = arith.constant 0 : i32
      %dma_wait3A_36 = tpu.memref_slice %arg2[%mul3A_2, %dma_wait3A] : memref<4096x200xi32, #tpu.memory_space<hbm>> -> memref<128x200xi32, #tpu.memory_space<hbm>>
      %dma_wait3A_37 = arith.constant 0 : i32
      %dma_wait3A_38 = tpu.memref_slice %arg2[%mul3A_2, %dma_wait3A_37] : memref<4096x200xi32, #tpu.memory_space<hbm>> -> memref<128x200xi32, #tpu.memory_space<hbm>>
      tpu.wait_dma2 semaphore(%run_scoped3A : memref<!tpu.dma_semaphore, #tpu.memory_space<semaphore_mem>>) src(%dma_wait3A_38 : memref<128x200xi32, #tpu.memory_space<hbm>>) dst(%arg5 : memref<128x200xi32, #tpu.memory_space<vmem>>)
      tpu.yield
    }) : () -> ()
    %dma_start3A = arith.constant 0 : i32
    %dma_start3A_3 = arith.constant 0 : i32
    %dma_start3A_4 = arith.constant 0 : i32
    %dma_start3A_5 = arith.constant 0 : i32
    %dma_start3A_6 = tpu.memref_slice %arg6[%dma_start3A_3, %dma_start3A_4, %dma_start3A_5] : memref<2x200x64xf32, #tpu.memory_space<vmem>> -> memref<1x104x64xf32, #tpu.memory_space<vmem>>
    %dma_start3A_7 = tpu.memref_squeeze %dma_start3A_6 : memref<1x104x64xf32, #tpu.memory_space<vmem>> -> memref<104x64xf32, #tpu.memory_space<vmem>>
    %dma_start3A_8 = arith.constant 0 : i32
    %dma_start3A_9 = tpu.memref_slice %arg5[%dma_start3A, %dma_start3A_8] : memref<128x200xi32, #tpu.memory_space<vmem>> -> memref<1x104xi32, #tpu.memory_space<vmem>>
    %dma_start3A_10 = tpu.memref_squeeze %dma_start3A_9 : memref<1x104xi32, #tpu.memory_space<vmem>> -> memref<104xi32, #tpu.memory_space<vmem>>
    %dma_start3A_11 = arith.constant 0 : i32
    %dma_start3A_12 = arith.constant 0 : i32
    %dma_start3A_13 = tpu.memref_slice %arg3[%dma_start3A_11, %dma_start3A_12] : memref<1000000x64xf32, #tpu.memory_space<hbm>> -> memref<1000000x64xf32, #tpu.memory_space<hbm>>
    tpu.enqueue_indirect_dma source(%dma_start3A_13 : memref<1000000x64xf32, #tpu.memory_space<hbm>>) target(%dma_start3A_7 : memref<104x64xf32, #tpu.memory_space<vmem>>) offsets(%dma_start3A_10 : memref<104xi32, #tpu.memory_space<vmem>>) semaphore(%arg8 : memref<!tpu.dma_semaphore, #tpu.memory_space<semaphore_mem>>)
    %dma_start3A_14 = arith.constant 0 : i32
    %dma_start3A_15 = arith.constant 0 : i32
    %dma_start3A_16 = arith.constant 104 : i32
    %dma_start3A_17 = arith.constant 0 : i32
    %dma_start3A_18 = tpu.memref_slice %arg6[%dma_start3A_15, %dma_start3A_16, %dma_start3A_17] : memref<2x200x64xf32, #tpu.memory_space<vmem>> -> memref<1x96x64xf32, #tpu.memory_space<vmem>>
    %dma_start3A_19 = tpu.memref_squeeze %dma_start3A_18 : memref<1x96x64xf32, #tpu.memory_space<vmem>> -> memref<96x64xf32, #tpu.memory_space<vmem>>
    %dma_start3A_20 = arith.constant 104 : i32
    %dma_start3A_21 = tpu.memref_slice %arg5[%dma_start3A_14, %dma_start3A_20] : memref<128x200xi32, #tpu.memory_space<vmem>> -> memref<1x96xi32, #tpu.memory_space<vmem>>
    %dma_start3A_22 = tpu.memref_squeeze %dma_start3A_21 : memref<1x96xi32, #tpu.memory_space<vmem>> -> memref<96xi32, #tpu.memory_space<vmem>>
    %dma_start3A_23 = arith.constant 0 : i32
    %dma_start3A_24 = arith.constant 0 : i32
    %dma_start3A_25 = tpu.memref_slice %arg3[%dma_start3A_23, %dma_start3A_24] : memref<1000000x64xf32, #tpu.memory_space<hbm>> -> memref<1000000x64xf32, #tpu.memory_space<hbm>>
    tpu.enqueue_indirect_dma source(%dma_start3A_25 : memref<1000000x64xf32, #tpu.memory_space<hbm>>) target(%dma_start3A_19 : memref<96x64xf32, #tpu.memory_space<vmem>>) offsets(%dma_start3A_22 : memref<96xi32, #tpu.memory_space<vmem>>) semaphore(%arg8 : memref<!tpu.dma_semaphore, #tpu.memory_space<semaphore_mem>>)
    %scan3A = arith.constant 0 : i32
    %scan3A_26 = arith.constant 0 : i32
    %scan3A_27 = arith.constant 64 : i32
    %scan3A_28 = arith.addi %scan3A_26, %scan3A_27 : i32
    %scan3A_29 = arith.constant 1 : i32
    %scan3A_30 = scf.for %scan3A_32 = %scan3A_26 to %scan3A_28 step %scan3A_29 iter_args(%scan3A_33 = %scan3A) -> (i32)  : i32 {
      %mul3A_34 = arith.constant 2 : i32
      %mul3A_35 = arith.muli %scan3A_32, %mul3A_34 : i32
      %add3A_36 = arith.constant 0 : i32
      %add3A_37 = arith.addi %mul3A_35, %add3A_36 : i32
      %add3A_38 = arith.constant 1 : i32
      %add3A_39 = arith.addi %add3A_37, %add3A_38 : i32
      %lt3A = arith.constant 128 : i32
      %lt3A_40 = arith.cmpi slt, %add3A_39, %lt3A : i32
      %convert_element_type3A = arith.extui %lt3A_40 : i1 to i32
      %cond3A = arith.constant 0 : i32
      %cond3A_41 = arith.cmpi ne, %convert_element_type3A, %cond3A : i32
      scf.if %cond3A_41 {
        %add3A_183 = arith.constant 1 : i32
        %add3A_184 = arith.addi %add3A_37, %add3A_183 : i32
        %dma_start3A_185 = arith.constant 1 : i32
        %dma_start3A_186 = arith.constant 0 : i32
        %dma_start3A_187 = arith.constant 0 : i32
        %dma_start3A_188 = tpu.memref_slice %arg6[%dma_start3A_185, %dma_start3A_186, %dma_start3A_187] : memref<2x200x64xf32, #tpu.memory_space<vmem>> -> memref<1x104x64xf32, #tpu.memory_space<vmem>>
        %dma_start3A_189 = tpu.memref_squeeze %dma_start3A_188 : memref<1x104x64xf32, #tpu.memory_space<vmem>> -> memref<104x64xf32, #tpu.memory_space<vmem>>
        %dma_start3A_190 = arith.constant 0 : i32
        %dma_start3A_191 = tpu.memref_slice %arg5[%add3A_184, %dma_start3A_190] : memref<128x200xi32, #tpu.memory_space<vmem>> -> memref<1x104xi32, #tpu.memory_space<vmem>>
        %dma_start3A_192 = tpu.memref_squeeze %dma_start3A_191 : memref<1x104xi32, #tpu.memory_space<vmem>> -> memref<104xi32, #tpu.memory_space<vmem>>
        %dma_start3A_193 = arith.constant 0 : i32
        %dma_start3A_194 = arith.constant 0 : i32
        %dma_start3A_195 = tpu.memref_slice %arg3[%dma_start3A_193, %dma_start3A_194] : memref<1000000x64xf32, #tpu.memory_space<hbm>> -> memref<1000000x64xf32, #tpu.memory_space<hbm>>
        tpu.enqueue_indirect_dma source(%dma_start3A_195 : memref<1000000x64xf32, #tpu.memory_space<hbm>>) target(%dma_start3A_189 : memref<104x64xf32, #tpu.memory_space<vmem>>) offsets(%dma_start3A_192 : memref<104xi32, #tpu.memory_space<vmem>>) semaphore(%arg9 : memref<!tpu.dma_semaphore, #tpu.memory_space<semaphore_mem>>)
        %dma_start3A_196 = arith.constant 1 : i32
        %dma_start3A_197 = arith.constant 104 : i32
        %dma_start3A_198 = arith.constant 0 : i32
        %dma_start3A_199 = tpu.memref_slice %arg6[%dma_start3A_196, %dma_start3A_197, %dma_start3A_198] : memref<2x200x64xf32, #tpu.memory_space<vmem>> -> memref<1x96x64xf32, #tpu.memory_space<vmem>>
        %dma_start3A_200 = tpu.memref_squeeze %dma_start3A_199 : memref<1x96x64xf32, #tpu.memory_space<vmem>> -> memref<96x64xf32, #tpu.memory_space<vmem>>
        %dma_start3A_201 = arith.constant 104 : i32
        %dma_start3A_202 = tpu.memref_slice %arg5[%add3A_184, %dma_start3A_201] : memref<128x200xi32, #tpu.memory_space<vmem>> -> memref<1x96xi32, #tpu.memory_space<vmem>>
        %dma_start3A_203 = tpu.memref_squeeze %dma_start3A_202 : memref<1x96xi32, #tpu.memory_space<vmem>> -> memref<96xi32, #tpu.memory_space<vmem>>
        %dma_start3A_204 = arith.constant 0 : i32
        %dma_start3A_205 = arith.constant 0 : i32
        %dma_start3A_206 = tpu.memref_slice %arg3[%dma_start3A_204, %dma_start3A_205] : memref<1000000x64xf32, #tpu.memory_space<hbm>> -> memref<1000000x64xf32, #tpu.memory_space<hbm>>
        tpu.enqueue_indirect_dma source(%dma_start3A_206 : memref<1000000x64xf32, #tpu.memory_space<hbm>>) target(%dma_start3A_200 : memref<96x64xf32, #tpu.memory_space<vmem>>) offsets(%dma_start3A_203 : memref<96xi32, #tpu.memory_space<vmem>>) semaphore(%arg9 : memref<!tpu.dma_semaphore, #tpu.memory_space<semaphore_mem>>)
      } else {
      }
      %dma_wait3A = arith.constant 0 : i32
      %dma_wait3A_42 = arith.constant 0 : i32
      %dma_wait3A_43 = arith.constant 0 : i32
      %dma_wait3A_44 = tpu.memref_slice %arg6[%dma_wait3A, %dma_wait3A_42, %dma_wait3A_43] : memref<2x200x64xf32, #tpu.memory_space<vmem>> -> memref<1x104x64xf32, #tpu.memory_space<vmem>>
      %dma_wait3A_45 = tpu.memref_squeeze %dma_wait3A_44 : memref<1x104x64xf32, #tpu.memory_space<vmem>> -> memref<104x64xf32, #tpu.memory_space<vmem>>
      %dma_wait3A_46 = arith.constant 0 : i32
      %dma_wait3A_47 = tpu.memref_slice %arg5[%add3A_37, %dma_wait3A_46] : memref<128x200xi32, #tpu.memory_space<vmem>> -> memref<1x104xi32, #tpu.memory_space<vmem>>
      %dma_wait3A_48 = tpu.memref_squeeze %dma_wait3A_47 : memref<1x104xi32, #tpu.memory_space<vmem>> -> memref<104xi32, #tpu.memory_space<vmem>>
      %dma_wait3A_49 = arith.constant 0 : i32
      %dma_wait3A_50 = arith.constant 0 : i32
      %dma_wait3A_51 = tpu.memref_slice %arg3[%dma_wait3A_49, %dma_wait3A_50] : memref<1000000x64xf32, #tpu.memory_space<hbm>> -> memref<1000000x64xf32, #tpu.memory_space<hbm>>
      tpu.wait_indirect_dma semaphore(%arg8 : memref<!tpu.dma_semaphore, #tpu.memory_space<semaphore_mem>>) src(%dma_wait3A_51 : memref<1000000x64xf32, #tpu.memory_space<hbm>>) dst(%dma_wait3A_45 : memref<104x64xf32, #tpu.memory_space<vmem>>)
      %dma_wait3A_52 = arith.constant 0 : i32
      %dma_wait3A_53 = arith.constant 104 : i32
      %dma_wait3A_54 = arith.constant 0 : i32
      %dma_wait3A_55 = tpu.memref_slice %arg6[%dma_wait3A_52, %dma_wait3A_53, %dma_wait3A_54] : memref<2x200x64xf32, #tpu.memory_space<vmem>> -> memref<1x96x64xf32, #tpu.memory_space<vmem>>
      %dma_wait3A_56 = tpu.memref_squeeze %dma_wait3A_55 : memref<1x96x64xf32, #tpu.memory_space<vmem>> -> memref<96x64xf32, #tpu.memory_space<vmem>>
      %dma_wait3A_57 = arith.constant 104 : i32
      %dma_wait3A_58 = tpu.memref_slice %arg5[%add3A_37, %dma_wait3A_57] : memref<128x200xi32, #tpu.memory_space<vmem>> -> memref<1x96xi32, #tpu.memory_space<vmem>>
      %dma_wait3A_59 = tpu.memref_squeeze %dma_wait3A_58 : memref<1x96xi32, #tpu.memory_space<vmem>> -> memref<96xi32, #tpu.memory_space<vmem>>
      %dma_wait3A_60 = arith.constant 0 : i32
      %dma_wait3A_61 = arith.constant 0 : i32
      %dma_wait3A_62 = tpu.memref_slice %arg3[%dma_wait3A_60, %dma_wait3A_61] : memref<1000000x64xf32, #tpu.memory_space<hbm>> -> memref<1000000x64xf32, #tpu.memory_space<hbm>>
      tpu.wait_indirect_dma semaphore(%arg8 : memref<!tpu.dma_semaphore, #tpu.memory_space<semaphore_mem>>) src(%dma_wait3A_62 : memref<1000000x64xf32, #tpu.memory_space<hbm>>) dst(%dma_wait3A_56 : memref<96x64xf32, #tpu.memory_space<vmem>>)
      %broadcast_in_dim3A = arith.constant 0.000000e+00 : f32
      %broadcast_in_dim3A_63 = vector.broadcast %broadcast_in_dim3A : f32 to vector<16xf32>
      %scan3A_64 = arith.constant 0 : i32
      %scan3A_65 = arith.constant 100 : i32
      %scan3A_66 = arith.addi %scan3A_64, %scan3A_65 : i32
      %scan3A_67 = arith.constant 1 : i32
      %scan3A_68:8 = scf.for %scan3A_183 = %scan3A_64 to %scan3A_66 step %scan3A_67 iter_args(%scan3A_184 = %broadcast_in_dim3A_63, %scan3A_185 = %broadcast_in_dim3A_63, %scan3A_186 = %broadcast_in_dim3A_63, %scan3A_187 = %broadcast_in_dim3A_63, %scan3A_188 = %broadcast_in_dim3A_63, %scan3A_189 = %broadcast_in_dim3A_63, %scan3A_190 = %broadcast_in_dim3A_63, %scan3A_191 = %broadcast_in_dim3A_63) -> (vector<16xf32>, vector<16xf32>, vector<16xf32>, vector<16xf32>, vector<16xf32>, vector<16xf32>, vector<16xf32>, vector<16xf32>)  : i32 {
        %mul3A_192 = arith.constant 2 : i32
        %mul3A_193 = arith.muli %mul3A_192, %scan3A_183 : i32
        %get3A = arith.constant 0 : i32
        %get3A_194 = arith.index_cast %get3A : i32 to index
        %get3A_195 = arith.index_cast %mul3A_193 : i32 to index
        %get3A_196 = arith.constant 0 : index
        %get3A_197 = tpu.vector_load %arg6[%get3A_194, %get3A_195, %get3A_196] {strides = array<i32>} : memref<2x200x64xf32, #tpu.memory_space<vmem>>, vector<1x1x16xf32>,
        %get3A_198 = vector.shape_cast %get3A_197 : vector<1x1x16xf32> to vector<16xf32>
        %add3A_199 = arith.addf %scan3A_184, %get3A_198 : vector<16xf32>
        %mul3A_200 = arith.constant 2 : i32
        %mul3A_201 = arith.muli %mul3A_200, %scan3A_183 : i32
        %add3A_202 = arith.constant 1 : i32
        %add3A_203 = arith.addi %mul3A_201, %add3A_202 : i32
        %get3A_204 = arith.constant 0 : i32
        %get3A_205 = arith.index_cast %get3A_204 : i32 to index
        %get3A_206 = arith.index_cast %add3A_203 : i32 to index
        %get3A_207 = arith.constant 0 : index
        %get3A_208 = tpu.vector_load %arg6[%get3A_205, %get3A_206, %get3A_207] {strides = array<i32>} : memref<2x200x64xf32, #tpu.memory_space<vmem>>, vector<1x1x16xf32>,
        %get3A_209 = vector.shape_cast %get3A_208 : vector<1x1x16xf32> to vector<16xf32>
        %add3A_210 = arith.addf %scan3A_185, %get3A_209 : vector<16xf32>
        %mul3A_211 = arith.constant 2 : i32
        %mul3A_212 = arith.muli %mul3A_211, %scan3A_183 : i32
        %get3A_213 = arith.constant 0 : i32
        %get3A_214 = arith.index_cast %get3A_213 : i32 to index
        %get3A_215 = arith.index_cast %mul3A_212 : i32 to index
        %get3A_216 = arith.constant 16 : index
        %get3A_217 = tpu.vector_load %arg6[%get3A_214, %get3A_215, %get3A_216] {strides = array<i32>} : memref<2x200x64xf32, #tpu.memory_space<vmem>>, vector<1x1x16xf32>,
        %get3A_218 = vector.shape_cast %get3A_217 : vector<1x1x16xf32> to vector<16xf32>
        %add3A_219 = arith.addf %scan3A_186, %get3A_218 : vector<16xf32>
        %mul3A_220 = arith.constant 2 : i32
        %mul3A_221 = arith.muli %mul3A_220, %scan3A_183 : i32
        %add3A_222 = arith.constant 1 : i32
        %add3A_223 = arith.addi %mul3A_221, %add3A_222 : i32
        %get3A_224 = arith.constant 0 : i32
        %get3A_225 = arith.index_cast %get3A_224 : i32 to index
        %get3A_226 = arith.index_cast %add3A_223 : i32 to index
        %get3A_227 = arith.constant 16 : index
        %get3A_228 = tpu.vector_load %arg6[%get3A_225, %get3A_226, %get3A_227] {strides = array<i32>} : memref<2x200x64xf32, #tpu.memory_space<vmem>>, vector<1x1x16xf32>,
        %get3A_229 = vector.shape_cast %get3A_228 : vector<1x1x16xf32> to vector<16xf32>
        %add3A_230 = arith.addf %scan3A_187, %get3A_229 : vector<16xf32>
        %mul3A_231 = arith.constant 2 : i32
        %mul3A_232 = arith.muli %mul3A_231, %scan3A_183 : i32
        %get3A_233 = arith.constant 0 : i32
        %get3A_234 = arith.index_cast %get3A_233 : i32 to index
        %get3A_235 = arith.index_cast %mul3A_232 : i32 to index
        %get3A_236 = arith.constant 32 : index
        %get3A_237 = tpu.vector_load %arg6[%get3A_234, %get3A_235, %get3A_236] {strides = array<i32>} : memref<2x200x64xf32, #tpu.memory_space<vmem>>, vector<1x1x16xf32>,
        %get3A_238 = vector.shape_cast %get3A_237 : vector<1x1x16xf32> to vector<16xf32>
        %add3A_239 = arith.addf %scan3A_188, %get3A_238 : vector<16xf32>
        %mul3A_240 = arith.constant 2 : i32
        %mul3A_241 = arith.muli %mul3A_240, %scan3A_183 : i32
        %add3A_242 = arith.constant 1 : i32
        %add3A_243 = arith.addi %mul3A_241, %add3A_242 : i32
        %get3A_244 = arith.constant 0 : i32
        %get3A_245 = arith.index_cast %get3A_244 : i32 to index
        %get3A_246 = arith.index_cast %add3A_243 : i32 to index
        %get3A_247 = arith.constant 32 : index
        %get3A_248 = tpu.vector_load %arg6[%get3A_245, %get3A_246, %get3A_247] {strides = array<i32>} : memref<2x200x64xf32, #tpu.memory_space<vmem>>, vector<1x1x16xf32>,
        %get3A_249 = vector.shape_cast %get3A_248 : vector<1x1x16xf32> to vector<16xf32>
        %add3A_250 = arith.addf %scan3A_189, %get3A_249 : vector<16xf32>
        %mul3A_251 = arith.constant 2 : i32
        %mul3A_252 = arith.muli %mul3A_251, %scan3A_183 : i32
        %get3A_253 = arith.constant 0 : i32
        %get3A_254 = arith.index_cast %get3A_253 : i32 to index
        %get3A_255 = arith.index_cast %mul3A_252 : i32 to index
        %get3A_256 = arith.constant 48 : index
        %get3A_257 = tpu.vector_load %arg6[%get3A_254, %get3A_255, %get3A_256] {strides = array<i32>} : memref<2x200x64xf32, #tpu.memory_space<vmem>>, vector<1x1x16xf32>,
        %get3A_258 = vector.shape_cast %get3A_257 : vector<1x1x16xf32> to vector<16xf32>
        %add3A_259 = arith.addf %scan3A_190, %get3A_258 : vector<16xf32>
        %mul3A_260 = arith.constant 2 : i32
        %mul3A_261 = arith.muli %mul3A_260, %scan3A_183 : i32
        %add3A_262 = arith.constant 1 : i32
        %add3A_263 = arith.addi %mul3A_261, %add3A_262 : i32
        %get3A_264 = arith.constant 0 : i32
        %get3A_265 = arith.index_cast %get3A_264 : i32 to index
        %get3A_266 = arith.index_cast %add3A_263 : i32 to index
        %get3A_267 = arith.constant 48 : index
        %get3A_268 = tpu.vector_load %arg6[%get3A_265, %get3A_266, %get3A_267] {strides = array<i32>} : memref<2x200x64xf32, #tpu.memory_space<vmem>>, vector<1x1x16xf32>,
        %get3A_269 = vector.shape_cast %get3A_268 : vector<1x1x16xf32> to vector<16xf32>
        %add3A_270 = arith.addf %scan3A_191, %get3A_269 : vector<16xf32>
        scf.yield %add3A_199, %add3A_210, %add3A_219, %add3A_230, %add3A_239, %add3A_250, %add3A_259, %add3A_270 : vector<16xf32>, vector<16xf32>, vector<16xf32>, vector<16xf32>, vector<16xf32>, vector<16xf32>, vector<16xf32>, vector<16xf32>
      }
      %scan3A_69 = arith.constant 100 : i32
      %add3A_70 = arith.addf %scan3A_68#0, %scan3A_68#1 : vector<16xf32>
      %mul3A_71 = arith.constant 5.000000e-03 : f32
      %mul3A_72 = vector.broadcast %mul3A_71 : f32 to vector<16xf32>
      %mul3A_73 = arith.mulf %add3A_70, %mul3A_72 : vector<16xf32>
      %swap3A = arith.index_cast %add3A_37 : i32 to index
      %swap3A_74 = arith.constant 0 : index
      %swap3A_75 = tpu.vector_load %arg7[%swap3A, %swap3A_74] {strides = array<i32>} : memref<128x64xf32, #tpu.memory_space<vmem>>, vector<1x16xf32>,
      %swap3A_76 = vector.shape_cast %swap3A_75 : vector<1x16xf32> to vector<16xf32>
      %swap3A_77 = vector.shape_cast %mul3A_73 : vector<16xf32> to vector<1x16xf32>
      tpu.vector_store %arg7[%swap3A, %swap3A_74], %swap3A_77 {strides = array<i32>} : memref<128x64xf32, #tpu.memory_space<vmem>>, vector<1x16xf32>,
      %add3A_78 = arith.addf %scan3A_68#2, %scan3A_68#3 : vector<16xf32>
      %mul3A_79 = arith.constant 5.000000e-03 : f32
      %mul3A_80 = vector.broadcast %mul3A_79 : f32 to vector<16xf32>
      %mul3A_81 = arith.mulf %add3A_78, %mul3A_80 : vector<16xf32>
      %swap3A_82 = arith.index_cast %add3A_37 : i32 to index
      %swap3A_83 = arith.constant 16 : index
      %swap3A_84 = tpu.vector_load %arg7[%swap3A_82, %swap3A_83] {strides = array<i32>} : memref<128x64xf32, #tpu.memory_space<vmem>>, vector<1x16xf32>,
      %swap3A_85 = vector.shape_cast %swap3A_84 : vector<1x16xf32> to vector<16xf32>
      %swap3A_86 = vector.shape_cast %mul3A_81 : vector<16xf32> to vector<1x16xf32>
      tpu.vector_store %arg7[%swap3A_82, %swap3A_83], %swap3A_86 {strides = array<i32>} : memref<128x64xf32, #tpu.memory_space<vmem>>, vector<1x16xf32>,
      %add3A_87 = arith.addf %scan3A_68#4, %scan3A_68#5 : vector<16xf32>
      %mul3A_88 = arith.constant 5.000000e-03 : f32
      %mul3A_89 = vector.broadcast %mul3A_88 : f32 to vector<16xf32>
      %mul3A_90 = arith.mulf %add3A_87, %mul3A_89 : vector<16xf32>
      %swap3A_91 = arith.index_cast %add3A_37 : i32 to index
      %swap3A_92 = arith.constant 32 : index
      %swap3A_93 = tpu.vector_load %arg7[%swap3A_91, %swap3A_92] {strides = array<i32>} : memref<128x64xf32, #tpu.memory_space<vmem>>, vector<1x16xf32>,
      %swap3A_94 = vector.shape_cast %swap3A_93 : vector<1x16xf32> to vector<16xf32>
      %swap3A_95 = vector.shape_cast %mul3A_90 : vector<16xf32> to vector<1x16xf32>
      tpu.vector_store %arg7[%swap3A_91, %swap3A_92], %swap3A_95 {strides = array<i32>} : memref<128x64xf32, #tpu.memory_space<vmem>>, vector<1x16xf32>,
      %add3A_96 = arith.addf %scan3A_68#6, %scan3A_68#7 : vector<16xf32>
      %mul3A_97 = arith.constant 5.000000e-03 : f32
      %mul3A_98 = vector.broadcast %mul3A_97 : f32 to vector<16xf32>
      %mul3A_99 = arith.mulf %add3A_96, %mul3A_98 : vector<16xf32>
      %swap3A_100 = arith.index_cast %add3A_37 : i32 to index
      %swap3A_101 = arith.constant 48 : index
      %swap3A_102 = tpu.vector_load %arg7[%swap3A_100, %swap3A_101] {strides = array<i32>} : memref<128x64xf32, #tpu.memory_space<vmem>>, vector<1x16xf32>,
      %swap3A_103 = vector.shape_cast %swap3A_102 : vector<1x16xf32> to vector<16xf32>
      %swap3A_104 = vector.shape_cast %mul3A_99 : vector<16xf32> to vector<1x16xf32>
      tpu.vector_store %arg7[%swap3A_100, %swap3A_101], %swap3A_104 {strides = array<i32>} : memref<128x64xf32, #tpu.memory_space<vmem>>, vector<1x16xf32>,
      %mul3A_105 = arith.constant 2 : i32
      %mul3A_106 = arith.muli %scan3A_32, %mul3A_105 : i32
      %add3A_107 = arith.constant 1 : i32
      %add3A_108 = arith.addi %mul3A_106, %add3A_107 : i32
      %add3A_109 = arith.constant 1 : i32
      %add3A_110 = arith.addi %add3A_108, %add3A_109 : i32
      %lt3A_111 = arith.constant 128 : i32
      %lt3A_112 = arith.cmpi slt, %add3A_110, %lt3A_111 : i32
      %convert_element_type3A_113 = arith.extui %lt3A_112 : i1 to i32
      %cond3A_114 = arith.constant 0 : i32
      %cond3A_115 = arith.cmpi ne, %convert_element_type3A_113, %cond3A_114 : i32
      scf.if %cond3A_115 {
        %add3A_183 = arith.constant 1 : i32
        %add3A_184 = arith.addi %add3A_108, %add3A_183 : i32
        %dma_start3A_185 = arith.constant 0 : i32
        %dma_start3A_186 = arith.constant 0 : i32
        %dma_start3A_187 = arith.constant 0 : i32
        %dma_start3A_188 = tpu.memref_slice %arg6[%dma_start3A_185, %dma_start3A_186, %dma_start3A_187] : memref<2x200x64xf32, #tpu.memory_space<vmem>> -> memref<1x104x64xf32, #tpu.memory_space<vmem>>
        %dma_start3A_189 = tpu.memref_squeeze %dma_start3A_188 : memref<1x104x64xf32, #tpu.memory_space<vmem>> -> memref<104x64xf32, #tpu.memory_space<vmem>>
        %dma_start3A_190 = arith.constant 0 : i32
        %dma_start3A_191 = tpu.memref_slice %arg5[%add3A_184, %dma_start3A_190] : memref<128x200xi32, #tpu.memory_space<vmem>> -> memref<1x104xi32, #tpu.memory_space<vmem>>
        %dma_start3A_192 = tpu.memref_squeeze %dma_start3A_191 : memref<1x104xi32, #tpu.memory_space<vmem>> -> memref<104xi32, #tpu.memory_space<vmem>>
        %dma_start3A_193 = arith.constant 0 : i32
        %dma_start3A_194 = arith.constant 0 : i32
        %dma_start3A_195 = tpu.memref_slice %arg3[%dma_start3A_193, %dma_start3A_194] : memref<1000000x64xf32, #tpu.memory_space<hbm>> -> memref<1000000x64xf32, #tpu.memory_space<hbm>>
        tpu.enqueue_indirect_dma source(%dma_start3A_195 : memref<1000000x64xf32, #tpu.memory_space<hbm>>) target(%dma_start3A_189 : memref<104x64xf32, #tpu.memory_space<vmem>>) offsets(%dma_start3A_192 : memref<104xi32, #tpu.memory_space<vmem>>) semaphore(%arg8 : memref<!tpu.dma_semaphore, #tpu.memory_space<semaphore_mem>>)
        %dma_start3A_196 = arith.constant 0 : i32
        %dma_start3A_197 = arith.constant 104 : i32
        %dma_start3A_198 = arith.constant 0 : i32
        %dma_start3A_199 = tpu.memref_slice %arg6[%dma_start3A_196, %dma_start3A_197, %dma_start3A_198] : memref<2x200x64xf32, #tpu.memory_space<vmem>> -> memref<1x96x64xf32, #tpu.memory_space<vmem>>
        %dma_start3A_200 = tpu.memref_squeeze %dma_start3A_199 : memref<1x96x64xf32, #tpu.memory_space<vmem>> -> memref<96x64xf32, #tpu.memory_space<vmem>>
        %dma_start3A_201 = arith.constant 104 : i32
        %dma_start3A_202 = tpu.memref_slice %arg5[%add3A_184, %dma_start3A_201] : memref<128x200xi32, #tpu.memory_space<vmem>> -> memref<1x96xi32, #tpu.memory_space<vmem>>
        %dma_start3A_203 = tpu.memref_squeeze %dma_start3A_202 : memref<1x96xi32, #tpu.memory_space<vmem>> -> memref<96xi32, #tpu.memory_space<vmem>>
        %dma_start3A_204 = arith.constant 0 : i32
        %dma_start3A_205 = arith.constant 0 : i32
        %dma_start3A_206 = tpu.memref_slice %arg3[%dma_start3A_204, %dma_start3A_205] : memref<1000000x64xf32, #tpu.memory_space<hbm>> -> memref<1000000x64xf32, #tpu.memory_space<hbm>>
        tpu.enqueue_indirect_dma source(%dma_start3A_206 : memref<1000000x64xf32, #tpu.memory_space<hbm>>) target(%dma_start3A_200 : memref<96x64xf32, #tpu.memory_space<vmem>>) offsets(%dma_start3A_203 : memref<96xi32, #tpu.memory_space<vmem>>) semaphore(%arg8 : memref<!tpu.dma_semaphore, #tpu.memory_space<semaphore_mem>>)
      } else {
      }
      %dma_wait3A_116 = arith.constant 1 : i32
      %dma_wait3A_117 = arith.constant 0 : i32
      %dma_wait3A_118 = arith.constant 0 : i32
      %dma_wait3A_119 = tpu.memref_slice %arg6[%dma_wait3A_116, %dma_wait3A_117, %dma_wait3A_118] : memref<2x200x64xf32, #tpu.memory_space<vmem>> -> memref<1x104x64xf32, #tpu.memory_space<vmem>>
      %dma_wait3A_120 = tpu.memref_squeeze %dma_wait3A_119 : memref<1x104x64xf32, #tpu.memory_space<vmem>> -> memref<104x64xf32, #tpu.memory_space<vmem>>
      %dma_wait3A_121 = arith.constant 0 : i32
      %dma_wait3A_122 = tpu.memref_slice %arg5[%add3A_108, %dma_wait3A_121] : memref<128x200xi32, #tpu.memory_space<vmem>> -> memref<1x104xi32, #tpu.memory_space<vmem>>
      %dma_wait3A_123 = tpu.memref_squeeze %dma_wait3A_122 : memref<1x104xi32, #tpu.memory_space<vmem>> -> memref<104xi32, #tpu.memory_space<vmem>>
      %dma_wait3A_124 = arith.constant 0 : i32
      %dma_wait3A_125 = arith.constant 0 : i32
      %dma_wait3A_126 = tpu.memref_slice %arg3[%dma_wait3A_124, %dma_wait3A_125] : memref<1000000x64xf32, #tpu.memory_space<hbm>> -> memref<1000000x64xf32, #tpu.memory_space<hbm>>
      tpu.wait_indirect_dma semaphore(%arg9 : memref<!tpu.dma_semaphore, #tpu.memory_space<semaphore_mem>>) src(%dma_wait3A_126 : memref<1000000x64xf32, #tpu.memory_space<hbm>>) dst(%dma_wait3A_120 : memref<104x64xf32, #tpu.memory_space<vmem>>)
      %dma_wait3A_127 = arith.constant 1 : i32
      %dma_wait3A_128 = arith.constant 104 : i32
      %dma_wait3A_129 = arith.constant 0 : i32
      %dma_wait3A_130 = tpu.memref_slice %arg6[%dma_wait3A_127, %dma_wait3A_128, %dma_wait3A_129] : memref<2x200x64xf32, #tpu.memory_space<vmem>> -> memref<1x96x64xf32, #tpu.memory_space<vmem>>
      %dma_wait3A_131 = tpu.memref_squeeze %dma_wait3A_130 : memref<1x96x64xf32, #tpu.memory_space<vmem>> -> memref<96x64xf32, #tpu.memory_space<vmem>>
      %dma_wait3A_132 = arith.constant 104 : i32
      %dma_wait3A_133 = tpu.memref_slice %arg5[%add3A_108, %dma_wait3A_132] : memref<128x200xi32, #tpu.memory_space<vmem>> -> memref<1x96xi32, #tpu.memory_space<vmem>>
      %dma_wait3A_134 = tpu.memref_squeeze %dma_wait3A_133 : memref<1x96xi32, #tpu.memory_space<vmem>> -> memref<96xi32, #tpu.memory_space<vmem>>
      %dma_wait3A_135 = arith.constant 0 : i32
      %dma_wait3A_136 = arith.constant 0 : i32
      %dma_wait3A_137 = tpu.memref_slice %arg3[%dma_wait3A_135, %dma_wait3A_136] : memref<1000000x64xf32, #tpu.memory_space<hbm>> -> memref<1000000x64xf32, #tpu.memory_space<hbm>>
      tpu.wait_indirect_dma semaphore(%arg9 : memref<!tpu.dma_semaphore, #tpu.memory_space<semaphore_mem>>) src(%dma_wait3A_137 : memref<1000000x64xf32, #tpu.memory_space<hbm>>) dst(%dma_wait3A_131 : memref<96x64xf32, #tpu.memory_space<vmem>>)
      %broadcast_in_dim3A_138 = arith.constant 0.000000e+00 : f32
      %broadcast_in_dim3A_139 = vector.broadcast %broadcast_in_dim3A_138 : f32 to vector<16xf32>
      %scan3A_140 = arith.constant 0 : i32
      %scan3A_141 = arith.constant 100 : i32
      %scan3A_142 = arith.addi %scan3A_140, %scan3A_141 : i32
      %scan3A_143 = arith.constant 1 : i32
      %scan3A_144:8 = scf.for %scan3A_183 = %scan3A_140 to %scan3A_142 step %scan3A_143 iter_args(%scan3A_184 = %broadcast_in_dim3A_139, %scan3A_185 = %broadcast_in_dim3A_139, %scan3A_186 = %broadcast_in_dim3A_139, %scan3A_187 = %broadcast_in_dim3A_139, %scan3A_188 = %broadcast_in_dim3A_139, %scan3A_189 = %broadcast_in_dim3A_139, %scan3A_190 = %broadcast_in_dim3A_139, %scan3A_191 = %broadcast_in_dim3A_139) -> (vector<16xf32>, vector<16xf32>, vector<16xf32>, vector<16xf32>, vector<16xf32>, vector<16xf32>, vector<16xf32>, vector<16xf32>)  : i32 {
        %mul3A_192 = arith.constant 2 : i32
        %mul3A_193 = arith.muli %mul3A_192, %scan3A_183 : i32
        %get3A = arith.constant 1 : i32
        %get3A_194 = arith.index_cast %get3A : i32 to index
        %get3A_195 = arith.index_cast %mul3A_193 : i32 to index
        %get3A_196 = arith.constant 0 : index
        %get3A_197 = tpu.vector_load %arg6[%get3A_194, %get3A_195, %get3A_196] {strides = array<i32>} : memref<2x200x64xf32, #tpu.memory_space<vmem>>, vector<1x1x16xf32>,
        %get3A_198 = vector.shape_cast %get3A_197 : vector<1x1x16xf32> to vector<16xf32>
        %add3A_199 = arith.addf %scan3A_184, %get3A_198 : vector<16xf32>
        %mul3A_200 = arith.constant 2 : i32
        %mul3A_201 = arith.muli %mul3A_200, %scan3A_183 : i32
        %add3A_202 = arith.constant 1 : i32
        %add3A_203 = arith.addi %mul3A_201, %add3A_202 : i32
        %get3A_204 = arith.constant 1 : i32
        %get3A_205 = arith.index_cast %get3A_204 : i32 to index
        %get3A_206 = arith.index_cast %add3A_203 : i32 to index
        %get3A_207 = arith.constant 0 : index
        %get3A_208 = tpu.vector_load %arg6[%get3A_205, %get3A_206, %get3A_207] {strides = array<i32>} : memref<2x200x64xf32, #tpu.memory_space<vmem>>, vector<1x1x16xf32>,
        %get3A_209 = vector.shape_cast %get3A_208 : vector<1x1x16xf32> to vector<16xf32>
        %add3A_210 = arith.addf %scan3A_185, %get3A_209 : vector<16xf32>
        %mul3A_211 = arith.constant 2 : i32
        %mul3A_212 = arith.muli %mul3A_211, %scan3A_183 : i32
        %get3A_213 = arith.constant 1 : i32
        %get3A_214 = arith.index_cast %get3A_213 : i32 to index
        %get3A_215 = arith.index_cast %mul3A_212 : i32 to index
        %get3A_216 = arith.constant 16 : index
        %get3A_217 = tpu.vector_load %arg6[%get3A_214, %get3A_215, %get3A_216] {strides = array<i32>} : memref<2x200x64xf32, #tpu.memory_space<vmem>>, vector<1x1x16xf32>,
        %get3A_218 = vector.shape_cast %get3A_217 : vector<1x1x16xf32> to vector<16xf32>
        %add3A_219 = arith.addf %scan3A_186, %get3A_218 : vector<16xf32>
        %mul3A_220 = arith.constant 2 : i32
        %mul3A_221 = arith.muli %mul3A_220, %scan3A_183 : i32
        %add3A_222 = arith.constant 1 : i32
        %add3A_223 = arith.addi %mul3A_221, %add3A_222 : i32
        %get3A_224 = arith.constant 1 : i32
        %get3A_225 = arith.index_cast %get3A_224 : i32 to index
        %get3A_226 = arith.index_cast %add3A_223 : i32 to index
        %get3A_227 = arith.constant 16 : index
        %get3A_228 = tpu.vector_load %arg6[%get3A_225, %get3A_226, %get3A_227] {strides = array<i32>} : memref<2x200x64xf32, #tpu.memory_space<vmem>>, vector<1x1x16xf32>,
        %get3A_229 = vector.shape_cast %get3A_228 : vector<1x1x16xf32> to vector<16xf32>
        %add3A_230 = arith.addf %scan3A_187, %get3A_229 : vector<16xf32>
        %mul3A_231 = arith.constant 2 : i32
        %mul3A_232 = arith.muli %mul3A_231, %scan3A_183 : i32
        %get3A_233 = arith.constant 1 : i32
        %get3A_234 = arith.index_cast %get3A_233 : i32 to index
        %get3A_235 = arith.index_cast %mul3A_232 : i32 to index
        %get3A_236 = arith.constant 32 : index
        %get3A_237 = tpu.vector_load %arg6[%get3A_234, %get3A_235, %get3A_236] {strides = array<i32>} : memref<2x200x64xf32, #tpu.memory_space<vmem>>, vector<1x1x16xf32>,
        %get3A_238 = vector.shape_cast %get3A_237 : vector<1x1x16xf32> to vector<16xf32>
        %add3A_239 = arith.addf %scan3A_188, %get3A_238 : vector<16xf32>
        %mul3A_240 = arith.constant 2 : i32
        %mul3A_241 = arith.muli %mul3A_240, %scan3A_183 : i32
        %add3A_242 = arith.constant 1 : i32
        %add3A_243 = arith.addi %mul3A_241, %add3A_242 : i32
        %get3A_244 = arith.constant 1 : i32
        %get3A_245 = arith.index_cast %get3A_244 : i32 to index
        %get3A_246 = arith.index_cast %add3A_243 : i32 to index
        %get3A_247 = arith.constant 32 : index
        %get3A_248 = tpu.vector_load %arg6[%get3A_245, %get3A_246, %get3A_247] {strides = array<i32>} : memref<2x200x64xf32, #tpu.memory_space<vmem>>, vector<1x1x16xf32>,
        %get3A_249 = vector.shape_cast %get3A_248 : vector<1x1x16xf32> to vector<16xf32>
        %add3A_250 = arith.addf %scan3A_189, %get3A_249 : vector<16xf32>
        %mul3A_251 = arith.constant 2 : i32
        %mul3A_252 = arith.muli %mul3A_251, %scan3A_183 : i32
        %get3A_253 = arith.constant 1 : i32
        %get3A_254 = arith.index_cast %get3A_253 : i32 to index
        %get3A_255 = arith.index_cast %mul3A_252 : i32 to index
        %get3A_256 = arith.constant 48 : index
        %get3A_257 = tpu.vector_load %arg6[%get3A_254, %get3A_255, %get3A_256] {strides = array<i32>} : memref<2x200x64xf32, #tpu.memory_space<vmem>>, vector<1x1x16xf32>,
        %get3A_258 = vector.shape_cast %get3A_257 : vector<1x1x16xf32> to vector<16xf32>
        %add3A_259 = arith.addf %scan3A_190, %get3A_258 : vector<16xf32>
        %mul3A_260 = arith.constant 2 : i32
        %mul3A_261 = arith.muli %mul3A_260, %scan3A_183 : i32
        %add3A_262 = arith.constant 1 : i32
        %add3A_263 = arith.addi %mul3A_261, %add3A_262 : i32
        %get3A_264 = arith.constant 1 : i32
        %get3A_265 = arith.index_cast %get3A_264 : i32 to index
        %get3A_266 = arith.index_cast %add3A_263 : i32 to index
        %get3A_267 = arith.constant 48 : index
        %get3A_268 = tpu.vector_load %arg6[%get3A_265, %get3A_266, %get3A_267] {strides = array<i32>} : memref<2x200x64xf32, #tpu.memory_space<vmem>>, vector<1x1x16xf32>,
        %get3A_269 = vector.shape_cast %get3A_268 : vector<1x1x16xf32> to vector<16xf32>
        %add3A_270 = arith.addf %scan3A_191, %get3A_269 : vector<16xf32>
        scf.yield %add3A_199, %add3A_210, %add3A_219, %add3A_230, %add3A_239, %add3A_250, %add3A_259, %add3A_270 : vector<16xf32>, vector<16xf32>, vector<16xf32>, vector<16xf32>, vector<16xf32>, vector<16xf32>, vector<16xf32>, vector<16xf32>
      }
      %scan3A_145 = arith.constant 100 : i32
      %add3A_146 = arith.addf %scan3A_144#0, %scan3A_144#1 : vector<16xf32>
      %mul3A_147 = arith.constant 5.000000e-03 : f32
      %mul3A_148 = vector.broadcast %mul3A_147 : f32 to vector<16xf32>
      %mul3A_149 = arith.mulf %add3A_146, %mul3A_148 : vector<16xf32>
      %swap3A_150 = arith.index_cast %add3A_108 : i32 to index
      %swap3A_151 = arith.constant 0 : index
      %swap3A_152 = tpu.vector_load %arg7[%swap3A_150, %swap3A_151] {strides = array<i32>} : memref<128x64xf32, #tpu.memory_space<vmem>>, vector<1x16xf32>,
      %swap3A_153 = vector.shape_cast %swap3A_152 : vector<1x16xf32> to vector<16xf32>
      %swap3A_154 = vector.shape_cast %mul3A_149 : vector<16xf32> to vector<1x16xf32>
      tpu.vector_store %arg7[%swap3A_150, %swap3A_151], %swap3A_154 {strides = array<i32>} : memref<128x64xf32, #tpu.memory_space<vmem>>, vector<1x16xf32>,
      %add3A_155 = arith.addf %scan3A_144#2, %scan3A_144#3 : vector<16xf32>
      %mul3A_156 = arith.constant 5.000000e-03 : f32
      %mul3A_157 = vector.broadcast %mul3A_156 : f32 to vector<16xf32>
      %mul3A_158 = arith.mulf %add3A_155, %mul3A_157 : vector<16xf32>
      %swap3A_159 = arith.index_cast %add3A_108 : i32 to index
      %swap3A_160 = arith.constant 16 : index
      %swap3A_161 = tpu.vector_load %arg7[%swap3A_159, %swap3A_160] {strides = array<i32>} : memref<128x64xf32, #tpu.memory_space<vmem>>, vector<1x16xf32>,
      %swap3A_162 = vector.shape_cast %swap3A_161 : vector<1x16xf32> to vector<16xf32>
      %swap3A_163 = vector.shape_cast %mul3A_158 : vector<16xf32> to vector<1x16xf32>
      tpu.vector_store %arg7[%swap3A_159, %swap3A_160], %swap3A_163 {strides = array<i32>} : memref<128x64xf32, #tpu.memory_space<vmem>>, vector<1x16xf32>,
      %add3A_164 = arith.addf %scan3A_144#4, %scan3A_144#5 : vector<16xf32>
      %mul3A_165 = arith.constant 5.000000e-03 : f32
      %mul3A_166 = vector.broadcast %mul3A_165 : f32 to vector<16xf32>
      %mul3A_167 = arith.mulf %add3A_164, %mul3A_166 : vector<16xf32>
      %swap3A_168 = arith.index_cast %add3A_108 : i32 to index
      %swap3A_169 = arith.constant 32 : index
      %swap3A_170 = tpu.vector_load %arg7[%swap3A_168, %swap3A_169] {strides = array<i32>} : memref<128x64xf32, #tpu.memory_space<vmem>>, vector<1x16xf32>,
      %swap3A_171 = vector.shape_cast %swap3A_170 : vector<1x16xf32> to vector<16xf32>
      %swap3A_172 = vector.shape_cast %mul3A_167 : vector<16xf32> to vector<1x16xf32>
      tpu.vector_store %arg7[%swap3A_168, %swap3A_169], %swap3A_172 {strides = array<i32>} : memref<128x64xf32, #tpu.memory_space<vmem>>, vector<1x16xf32>,
      %add3A_173 = arith.addf %scan3A_144#6, %scan3A_144#7 : vector<16xf32>
      %mul3A_174 = arith.constant 5.000000e-03 : f32
      %mul3A_175 = vector.broadcast %mul3A_174 : f32 to vector<16xf32>
      %mul3A_176 = arith.mulf %add3A_173, %mul3A_175 : vector<16xf32>
      %swap3A_177 = arith.index_cast %add3A_108 : i32 to index
      %swap3A_178 = arith.constant 48 : index
      %swap3A_179 = tpu.vector_load %arg7[%swap3A_177, %swap3A_178] {strides = array<i32>} : memref<128x64xf32, #tpu.memory_space<vmem>>, vector<1x16xf32>,
      %swap3A_180 = vector.shape_cast %swap3A_179 : vector<1x16xf32> to vector<16xf32>
      %swap3A_181 = vector.shape_cast %mul3A_176 : vector<16xf32> to vector<1x16xf32>
      tpu.vector_store %arg7[%swap3A_177, %swap3A_178], %swap3A_181 {strides = array<i32>} : memref<128x64xf32, #tpu.memory_space<vmem>>, vector<1x16xf32>,
      %scan3A_182 = arith.constant 0 : i32
      scf.yield %scan3A_182 : i32
    }
    %scan3A_31 = arith.constant 64 : i32
    "tpu.region"() ({
      %run_scoped3A = tpu.sem_alloc : memref<!tpu.dma_semaphore, #tpu.memory_space<semaphore_mem>>
      %dma_start3A_32 = arith.constant 0 : i32
      %dma_start3A_33 = tpu.memref_slice %arg4[%mul3A_2, %dma_start3A_32] : memref<4096x64xf32, #tpu.memory_space<hbm>> -> memref<128x64xf32, #tpu.memory_space<hbm>>
      %dma_start3A_34 = arith.constant 0 : i32
      %dma_start3A_35 = tpu.memref_slice %arg4[%mul3A_2, %dma_start3A_34] : memref<4096x64xf32, #tpu.memory_space<hbm>> -> memref<128x64xf32, #tpu.memory_space<hbm>>
      tpu.enqueue_dma source(%arg7 : memref<128x64xf32, #tpu.memory_space<vmem>>) target(%dma_start3A_35 : memref<128x64xf32, #tpu.memory_space<hbm>>) target_semaphore(%run_scoped3A : memref<!tpu.dma_semaphore, #tpu.memory_space<semaphore_mem>>)
      %dma_wait3A = arith.constant 0 : i32
      %dma_wait3A_36 = tpu.memref_slice %arg4[%mul3A_2, %dma_wait3A] : memref<4096x64xf32, #tpu.memory_space<hbm>> -> memref<128x64xf32, #tpu.memory_space<hbm>>
      %dma_wait3A_37 = arith.constant 0 : i32
      %dma_wait3A_38 = tpu.memref_slice %arg4[%mul3A_2, %dma_wait3A_37] : memref<4096x64xf32, #tpu.memory_space<hbm>> -> memref<128x64xf32, #tpu.memory_space<hbm>>
      tpu.wait_dma2 semaphore(%run_scoped3A : memref<!tpu.dma_semaphore, #tpu.memory_space<semaphore_mem>>) src(%arg7 : memref<128x64xf32, #tpu.memory_space<vmem>>) dst(%dma_wait3A_38 : memref<128x64xf32, #tpu.memory_space<hbm>>)
      tpu.yield
    }) : () -> ()
    return
  }
}

module attributes {stable_mosaic.version = 14 : i64} {
  func.func @_mlp_body(%arg0: i32, %arg1: memref<512x64xf32, #tpu.memory_space<vmem>>, %arg2: memref<64x128xf32, #tpu.memory_space<vmem>>, %arg3: memref<1x128xf32, #tpu.memory_space<vmem>>, %arg4: memref<128x128xf32, #tpu.memory_space<vmem>>, %arg5: memref<1x128xf32, #tpu.memory_space<vmem>>, %arg6: memref<512x128xf32, #tpu.memory_space<vmem>>) attributes {dimension_semantics = [#tpu.dimension_semantics<arbitrary>], iteration_bounds = array<i64: 8>, scalar_prefetch = 0 : i64, scratch_operands = 0 : i64, tpu.core_type = #tpu.core_type<tc>, window_params = [{transform_indices = @transform_0, window_bounds = array<i64: 512, 64>}, {pipeline_mode = #tpu.pipeline_mode<synchronous>, transform_indices = @transform_1, window_bounds = array<i64: 64, 128>}, {pipeline_mode = #tpu.pipeline_mode<synchronous>, transform_indices = @transform_2, window_bounds = array<i64: 1, 128>}, {pipeline_mode = #tpu.pipeline_mode<synchronous>, transform_indices = @transform_3, window_bounds = array<i64: 128, 128>}, {pipeline_mode = #tpu.pipeline_mode<synchronous>, transform_indices = @transform_4, window_bounds = array<i64: 1, 128>}, {transform_indices = @transform_5, window_bounds = array<i64: 512, 128>}]} {
    %get3A = arith.constant 0 : index
    %get3A_0 = arith.constant 0 : index
    %get3A_1 = vector.load %arg1[%get3A, %get3A_0] : memref<512x64xf32, #tpu.memory_space<vmem>>, vector<512x64xf32>
    %get3A_2 = arith.constant 0 : index
    %get3A_3 = arith.constant 0 : index
    %get3A_4 = vector.load %arg2[%get3A_2, %get3A_3] : memref<64x128xf32, #tpu.memory_space<vmem>>, vector<64x128xf32>
    %dot_general3A = arith.constant dense<0.000000e+00> : vector<512x128xf32>
    %dot_general3A_5 = tpu.matmul %get3A_1, %get3A_4, %dot_general3A {dimension_numbers = #tpu.dot_dimension_numbers<[1], [0], [0], [1], [0, 0, 1, 1], [], []>, transpose_lhs_hint = false} : vector<512x64xf32>, vector<64x128xf32>, vector<512x128xf32> -> vector<512x128xf32>
    %get3A_6 = arith.constant 0 : index
    %get3A_7 = arith.constant 0 : index
    %get3A_8 = vector.load %arg3[%get3A_6, %get3A_7] : memref<1x128xf32, #tpu.memory_space<vmem>>, vector<1x128xf32>
    %add3A = vector.broadcast %get3A_8 : vector<1x128xf32> to vector<512x128xf32>
    %add3A_9 = arith.addf %dot_general3A_5, %add3A : vector<512x128xf32>
    %max3A = arith.constant 0.000000e+00 : f32
    %max3A_10 = vector.broadcast %max3A : f32 to vector<512x128xf32>
    %max3A_11 = arith.maximumf %add3A_9, %max3A_10 : vector<512x128xf32>
    %get3A_12 = arith.constant 0 : index
    %get3A_13 = arith.constant 0 : index
    %get3A_14 = vector.load %arg4[%get3A_12, %get3A_13] : memref<128x128xf32, #tpu.memory_space<vmem>>, vector<128x128xf32>
    %dot_general3A_15 = arith.constant dense<0.000000e+00> : vector<512x128xf32>
    %dot_general3A_16 = tpu.matmul %max3A_11, %get3A_14, %dot_general3A_15 {dimension_numbers = #tpu.dot_dimension_numbers<[1], [0], [0], [1], [0, 0, 1, 1], [], []>, transpose_lhs_hint = false} : vector<512x128xf32>, vector<128x128xf32>, vector<512x128xf32> -> vector<512x128xf32>
    %get3A_17 = arith.constant 0 : index
    %get3A_18 = arith.constant 0 : index
    %get3A_19 = vector.load %arg5[%get3A_17, %get3A_18] : memref<1x128xf32, #tpu.memory_space<vmem>>, vector<1x128xf32>
    %add3A_20 = vector.broadcast %get3A_19 : vector<1x128xf32> to vector<512x128xf32>
    %add3A_21 = arith.addf %dot_general3A_16, %add3A_20 : vector<512x128xf32>
    %swap3A = arith.constant 0 : index
    %swap3A_22 = arith.constant 0 : index
    %swap3A_23 = vector.load %arg6[%swap3A, %swap3A_22] : memref<512x128xf32, #tpu.memory_space<vmem>>, vector<512x128xf32>
    tpu.vector_store %arg6[%swap3A, %swap3A_22], %add3A_21 {strides = array<i32>} : memref<512x128xf32, #tpu.memory_space<vmem>>, vector<512x128xf32>,
    return
  }
  func.func @transform_0(%arg0: i32) -> (i32, i32) {
    %c0_i32 = arith.constant 0 : i32
    %c0_i32_0 = arith.constant 0 : i32
    return %arg0, %c0_i32 : i32, i32
  }
  func.func @transform_1(%arg0: i32) -> (i32, i32) {
    %c0_i32 = arith.constant 0 : i32
    %c0_i32_0 = arith.constant 0 : i32
    %c0_i32_1 = arith.constant 0 : i32
    return %c0_i32, %c0_i32_0 : i32, i32
  }
  func.func @transform_2(%arg0: i32) -> (i32, i32) {
    %c0_i32 = arith.constant 0 : i32
    %c0_i32_0 = arith.constant 0 : i32
    %c0_i32_1 = arith.constant 0 : i32
    return %c0_i32, %c0_i32_0 : i32, i32
  }
  func.func @transform_3(%arg0: i32) -> (i32, i32) {
    %c0_i32 = arith.constant 0 : i32
    %c0_i32_0 = arith.constant 0 : i32
    %c0_i32_1 = arith.constant 0 : i32
    return %c0_i32, %c0_i32_0 : i32, i32
  }
  func.func @transform_4(%arg0: i32) -> (i32, i32) {
    %c0_i32 = arith.constant 0 : i32
    %c0_i32_0 = arith.constant 0 : i32
    %c0_i32_1 = arith.constant 0 : i32
    return %c0_i32, %c0_i32_0 : i32, i32
  }
  func.func @transform_5(%arg0: i32) -> (i32, i32) {
    %c0_i32 = arith.constant 0 : i32
    %c0_i32_0 = arith.constant 0 : i32
    return %arg0, %c0_i32 : i32, i32
  }
}

</mosaic_0001>

<sc_bundles>
// kernel: kernel.4.cloned.1.call-start
scs
__scs_entry_jumppad:
0x0: {  	(pc) =	sbr.rel $0x88, $3  }
0x1: {  	(tag) =	ssettag $0x0;
	lr =	simm.s32 $0x1  }
0x2: {  	[smem:$0x3F9B] =	sst lr;
	_ =	strace $0xD0000000  }
0x3: {  	_ = 	snop  }
0x4: {  	_ = 	snop  }
0x5: {  	_ = 	snop  }
0x6: {  	_ = 	snop  }
0x7: {  	_ = 	snop  }
__scs_overlays_trampoline_lowered:
0x8: {  	[smem:$0x3FAA] =	sst s0  }
0x9: {  	[smem:$0x3FAB] =	sst s1  }
0xa: {  	[smem:$0x3FAC] =	sst s2  }
0xb: {  	[smem:$0x3FAD] =	sst s3  }
0xc: {  	[smem:$0x3FAE] =	sst s4  }
0xd: {  	[smem:$0x3FAF] =	sst s5  }
0xe: {  	[smem:$0x3FB0] =	sst s6  }
0xf: {  	[smem:$0x3FB1] =	sst s7  }
0x10: {  	[smem:$0x3FB2] =	sst s8  }
0x11: {  	[smem:$0x3FB3] =	sst s9;
	s0 =	simm.s32 @!p0 $0x0  }
0x12: {  	s1 =	sld [smem:$0x3F99];
	s0 =	simm.s32 @p0 $0x1  }
0x13: {  	[smem:$0x3FB4] =	sst s0;
	s0 =	simm.s32 @!p1 $0x0  }
0x14: {  	s2 =	sld [smem:$0x3F98];
	s0 =	simm.s32 @p1 $0x1  }
0x15: {  	[smem:$0x3FB5] =	sst s0;
	s0 =	simm.s32 @!p2 $0x0  }
0x16: {  	s3 =	sld [smem:$0x3FDB];
	s0 =	simm.s32 @p2 $0x1  }
0x17: {  	s4 =	simm.s32 $0x1BF5;
	[smem:$0x3FB7] =	sst s0  }
0x18: {  	s0 =	sld [smem:$0x3F9A];
	_ =	swait.ge [sflag:s4], $0x0  }
0x19: {  	s7 =	sld [smem:$0x3F9B]  }
0x1a: {  	s8 =	sadd.s32 $0xFFFFE003, lr  }
0x1b: {  	s9 =	sadd.s32 $0xFFFFFEF7, lr;
	s5 =	simm.s32 $0xFFFFFFFF;
	p2 =	slt.u32 s8, $0xFFFFF086  }
0x1c: {  	p1 =	slt.u32 s9, $0xF7A;
	s5 =	simm.s32 @!p2 $0x0  }
0x1d: {  	s5 =	simm.s32 @p1 $0x1;
	p0 =	seq.s32 s7, s2  }
0x1e: {  	s7 =	smul.u32 @!p0 $0xF7A, s2;
	p2 =	seq.s32 @!p0 s5, $0x0  }
0x1f: {  	s9 =	smul.u32 $0xF7A, s1;
	s8 =	simm.s32 @!p0 $0x1BF5;
	p2 =	por !p2, p0  }
0x20: {  	[sflag:s8] =	ssyncset.s32 @!p0 $0xFFFFF086;
	s6 =	sadd.s32 @!p0 s3, s7;
	s7 =	simm.s32 @!p0 $0x108  }
0x21: {  	s3 =	sadd.s32 s3, s9;
	s6 =	sadd.s32 @!p0 $0x88, s6;
	s7 =	simm.s32 @p2 $0x1082  }
0x22: {  	[simem:s7], [sflag:s8] =	dma.local @!p0 [hbm:s6], $0xF7A  }
0x23: {  	s9 =	sor.u32 $0xD0000000, s2;
	s6 =	simm.s32 $0x108;
	_ =	swait.ge @!p0 [sflag:s8], $0x0  }
0x24: {  	s3 =	sadd.s32 $0x88, s3;
	s6 =	simm.s32 @!p1 $0x1082;
	[sflag:s4] =	ssyncset.s32 $0xFFFFF086  }
0x25: {  	[simem:s6], [sflag:s4] =	dma.local [hbm:s3], $0xF7A  }
0x26: {  	[smem:$0x3F9B] =	sst s1;
	(tag) =	ssettag s2;
	_ =	strace s9  }
0x27: {  	s1 =	sld [smem:$0x3FAB]  }
0x28: {  	s2 =	sld [smem:$0x3FAC]  }
0x29: {  	s4 =	sld [smem:$0x3FAE]  }
0x2a: {  	p0 =	seq.s32 s5, $0x0;
	s5 =	sld [smem:$0x3FAF]  }
0x2b: {  	s6 =	sld [smem:$0x3FB0]  }
0x2c: {  	s7 =	sld [smem:$0x3FB1]  }
0x2d: {  	s3 =	simm.s32 $0x108;
	s8 =	sld [smem:$0x3FB2]  }
0x2e: {  	s3 =	simm.s32 @!p0 $0x1082;
	s9 =	sld [smem:$0x3FB3]  }
0x2f: {  	lr =	sadd.s32 s0, s3;
	s0 =	sld [smem:$0x3FAA]  }
0x30: {  	s3 =	sld [smem:$0x3FAD]  }
0x31: {  	[smem:$0x3FB6] =	sst s10  }
0x32: {  	s10 =	sld [smem:$0x3FB4];
	_ =	sdelay $0x3  }
0x33: {  	p0 =	seq.s32 s10, $0x1;
	s10 =	sld [smem:$0x3FB6];
	_ =	sdelay $0x3  }
0x34: {  	[smem:$0x3FB6] =	sst s10  }
0x35: {  	s10 =	sld [smem:$0x3FB5];
	_ =	sdelay $0x3  }
0x36: {  	p1 =	seq.s32 s10, $0x1;
	s10 =	sld [smem:$0x3FB6];
	_ =	sdelay $0x3  }
0x37: {  	[smem:$0x3FB6] =	sst s10  }
0x38: {  	s10 =	sld [smem:$0x3FB7]  }
0x39: {  	_ = 	snop;
	(pc) =	sbr.ind lr, $3  }
0x3a: {  	_ = 	snop  }
0x3b: {  	_ = 	snop  }
0x3c: {  	p2 =	seq.s32 s10, $0x1;
	s10 =	sld [smem:$0x3FB6]  }
0x3d: {  	_ =	shalt  }
0x3e: {  	_ =	shalt  }
0x3f: {  	_ =	shalt  }
0x40: {  	_ =	shalt  }
0x41: {  	_ =	shalt  }
0x42: {  	_ =	shalt  }
0x43: {  	_ =	shalt  }
0x44: {  	_ =	shalt  }
0x45: {  	_ =	shalt  }
0x46: {  	_ =	shalt  }
0x47: {  	_ =	shalt  }
0x48: {  	_ =	shalt  }
0x49: {  	_ =	shalt  }
0x4a: {  	_ =	shalt  }
0x4b: {  	_ =	shalt  }
0x4c: {  	_ =	shalt  }
0x4d: {  	_ =	shalt  }
0x4e: {  	_ =	shalt  }
0x4f: {  	_ =	shalt  }
0x50: {  	_ =	shalt  }
0x51: {  	_ =	shalt  }
0x52: {  	_ =	shalt  }
0x53: {  	_ =	shalt  }
0x54: {  	_ =	shalt  }
0x55: {  	_ =	shalt  }
0x56: {  	_ =	shalt  }
0x57: {  	_ =	shalt  }
0x58: {  	_ =	shalt  }
0x59: {  	_ =	shalt  }
0x5a: {  	_ =	shalt  }
0x5b: {  	_ =	shalt  }
0x5c: {  	_ =	shalt  }
0x5d: {  	_ =	shalt  }
0x5e: {  	_ =	shalt  }
0x5f: {  	_ =	shalt  }
0x60: {  	_ =	shalt  }
0x61: {  	_ =	shalt  }
0x62: {  	_ =	shalt  }
0x63: {  	_ =	shalt  }
0x64: {  	_ =	shalt  }
0x65: {  	_ =	shalt  }
0x66: {  	_ =	shalt  }
0x67: {  	_ =	shalt  }
0x68: {  	_ =	shalt  }
0x69: {  	_ =	shalt  }
0x6a: {  	_ =	shalt  }
0x6b: {  	_ =	shalt  }
0x6c: {  	_ =	shalt  }
0x6d: {  	_ =	shalt  }
0x6e: {  	_ =	shalt  }
0x6f: {  	_ =	shalt  }
0x70: {  	_ =	shalt  }
0x71: {  	_ =	shalt  }
0x72: {  	_ =	shalt  }
0x73: {  	_ =	shalt  }
0x74: {  	_ =	shalt  }
0x75: {  	_ =	shalt  }
0x76: {  	_ =	shalt  }
0x77: {  	_ =	shalt  }
0x78: {  	_ =	shalt  }
0x79: {  	_ =	shalt  }
0x7a: {  	_ =	shalt  }
0x7b: {  	_ =	shalt  }
0x7c: {  	_ =	shalt  }
0x7d: {  	_ =	shalt  }
0x7e: {  	_ =	shalt  }
0x7f: {  	_ =	shalt  }
0x80: {  	_ =	shalt  }
0x81: {  	_ =	shalt  }
0x82: {  	_ =	shalt  }
0x83: {  	_ =	shalt  }
0x84: {  	_ =	shalt  }
0x85: {  	_ =	shalt  }
0x86: {  	_ =	shalt  }
0x87: {  	_ =	shalt  }
.Lfunc_end0:
.L_simem_size_0:
called_computation_lowered:
.L_overlay_start_0:
0x88: {  	s2 =	sld [smem:$0x3FD9]  }
0x89: {  	s3 =	sld [smem:$0x3FFE];
	_ =	sdelay $0x1  }
0x8a: {  	s1 =	srdreg.scid  }
0x8b: {  	s0 =	sand.u32 $0x1, s1  }
0x8c: {  	s16 =	sshll.u32 s0, $0xA;
	s2 =	sadd.s32 s3, s2  }
0x8d: {  	s2 =	sadd.s32 s2, s16  }
0x8e: {  	[smem:$0x3FC2] =	sst s2  }
0x8f: {  	_ = 	snop  }
0x90: {  	(tm) =	ssettm $0x1  }
0x91: {  	s17 =	sld [smem:$0x3FFB];
	_ =	sdelay $0x3  }
0x92: {  	_ =	strace s17  }
0x93: {  	s2 =	sld [smem:$0x3FFC];
	_ =	sdelay $0x3  }
0x94: {  	_ =	strace s2  }
0x95: {  	s2 =	sld [smem:$0x3FFD];
	_ =	sdelay $0x3  }
0x96: {  	_ =	strace s2  }
0x97: {  	_ =	strace $0x8FFFFFFF  }
0x98: {  	s18 =	sld [smem:$0x3FDB];
	_ =	sdelay $0x1  }
0x99: {  	s19 =	simm.s32 $_scs_section_size  }
0x9a: {  	s4 =	simm.s32 $_size__tile_overlayer_lowered;
	s5 =	simm.s32 $_tile_overlayer_lowered  }
0x9b: {  	s22 =	simm.s32 $0x1BFF;
	s21 =	sshll.u32 s5, $0x1;
	s2 =	sadd.s32 s19, s18  }
0x9c: {  	s6 =	simm.s32 $0x0;
	s20 =	sshll.u32 s4, $0x1;
	s4 =	sadd.s32 s21, s2  }
0x9d: {  	[timem:s6], [sflag:s22] =	dma.local [hbm:s4], s20  }
0x9e: {  	_ =	swait.ge [sflag:s22], s20  }
0x9f: {  	s3 =	ssub.s32 $0x0, s20;
	[sflag:s22] =	ssyncset.done $0x0  }
0xa0: {  	[sflag:s22] =	ssyncadd.s32 s3;
	_ =	sdelay $0x1  }
0xa1: {  	s23 =	simm.s32 $0x1B8B  }
0xa2: {  	_ =	swait.ge [sflag:s23], $0x1  }
0xa3: {  	[sflag:s23] =	ssyncset.done $0x0  }
0xa4: {  	s25 =	simm.s32 $0x1B8E;
	s24 =	sld [smem:$0x3FFE];
	[sflag:s23] =	ssyncadd.s32 $0xFFFFFFFF  }
0xa5: {  	s26 =	simm.s32 $execute0_lowered;
	[smem:$0x3FD2] =	sst s25  }
0xa6: {  	s4 =	sshll.u32 s26, $0x1;
	_ =	strace $0x80000046;
	[dreg:$0x1] =	wrdreg $0xFFFFFFFF  }
0xa7: {  	s28 =	simm.s32 $_size_execute0_lowered;
	s2 =	sadd.s32 s2, s4;
	[dreg:$0x0] =	wrdreg $0x0  }
0xa8: {  	s4 =	sshll.u32 s28, $0x1;
	[dreg:$0x2] =	wrdreg s2  }
0xa9: {  	[dreg:$0x3] =	wrdreg s4  }
0xaa: {  	[dreg:$0x4] =	wrdreg $0xC0  }
0xab: {  	_ =	task [dreg:s6], $0x5FFFF  }
0xac: {  	[dreg:$0x1] =	wrdreg $0xFFFFFFFF  }
0xad: {  	[dreg:$0x0] =	wrdreg $0x60  }
0xae: {  	[dreg:$0x2] =	wrdreg s24  }
0xaf: {  	[dreg:$0x3] =	wrdreg $0x9  }
0xb0: {  	_ =	task.clear_ibuf [dreg:s6], $0x4FFFF;
	_ =	strace $0x90000046  }
0xb1: {  	s29 =	simm.s32 $0x9;
	_ =	strace $0x80000048  }
0xb2: {  	_ =	swait.ge [sflag:s29], $0x1  }
0xb3: {  	[sflag:s29] =	ssyncadd.s32 $0xFFFFFFFF  }
0xb4: {  	_ =	strace $0x90000048  }
0xb5: {  	_ =	sfence  }
0xb6: {  	s30 =	sld [smem:$0x0];
	_ =	sdelay $0x2  }
0xb7: {  	s31 =	sshll.u32 s1, $0xD;
	s1 =	sshrl.u32 s1, $0x2  }
0xb8: {  	s3 =	sand.u32 $0x4000, s31;
	s1 =	sadd.s32 s1, s30  }
0xb9: {  	s0 =	sor.u32 s3, s0;
	s1 =	sshll.u32 s1, $0x11  }
0xba: {  	s0 =	sor.u32 s1, s0  }
0xbb: {  	s0 =	sadd.s32 $0x8F2B, s0  }
0xbc: {  	[sflag:s0] =	ssyncadd.remote.s32 $0x1  }
0xbd: {  	_ =	sfence.sel $0xFFFF  }
0xbe: {  	[dreg:$0x0] =	wrdreg $0xFFFFFFFF;
	(pc) =	sbr.abs _section_cstart, $3  }
0xbf: {  	[dreg:$0x1] =	wrdreg $0xFFFFFFFF  }
0xc0: {  	_ =	task.clear_ibuf [dreg:s6], $0x2FFFF;
	_ =	strace $0x9FFFFFFF  }
0xc1: {  	(tm) =	ssettm $0x7FFFFFFF  }
tec
execute0_lowered:
.L_overlay_start_1:
0x0: {  	(tag) =	ssettag $0x1  }
0x1: {  	s1 =	srdreg.scid  }
0x2: {  	s0 =	stileid.u32;
	s4 =	rddreg [dreg:$0x0]  }
0x3: {  	s2 =	simm.s32 $0x0;
	s8 =	simm.s32 $0x68;
	s9 =	simm.s32 $0x6400  }
0x4: {  	s10 =	simm.s32 $0x60;
	s11 =	simm.s32 $0x7E00;
	s12 =	simm.s32 $0x9600  }
0x5: {  	s13 =	simm.s32 $0xB000;
	s14 =	simm.s32 $0x1;
	s15 =	simm.s32 $0x2  }
0x6: {  	s16 =	simm.s32 $0xC800;
	s17 =	simm.s32 $0x0;
	s3 =	sand.u32 $0x1, s1  }
0x7: {  	s5 =	sshll.u32 s0, $0x8;
	[smem:$0x7FF] =	sst s2;
	s6 =	sshll.u32 s3, $0x7  }
0x8: {  	s1 =	rddreg [dreg:$0x1];
	_ =	strace $0x80000047;
	s5 =	sor.u32 s6, s5  }
0x9: {  	s7 =	ssub.s32 $0x2, s3;
	s6 =	smul.u32 $0x19, s5;
	s5 =	sshll.u32 s5, $0x3  }
0xa: {  	s3 =	sadd.s32 $0xF43200, s4;
	s31 =	sshrl.u32 s7, $0x1;
	s5 =	sadd.s32 s5, s4  }
0xb: {  	s7 =	ssub.s32 s7, s31;
	s6 =	sadd.s32 s6, s4;
	s5 =	sadd.s32 $0x19E00, s5  }
0xc: {  	s4 =	sadd.s32 $0xE00, s6;
	s6 =	smax.u32 s7, $0x1;
	s7 =	simm.s32 $0x3  }
.LBB2_1:
0xd: {  	[tilespmem:s2], [sflag:$0x3] =	stream.linear.gather [hbm4b:s4+s2], $0x6400, $0x38;
	[tilespmem:$0xE800] =	vst v63  }
0xe: {  	_ =	swait.ge [sflag:s7], $0x6400  }
0xf: {  	[sflag:s7] =	ssyncset.done $0x0  }
0x10: {  	[sflag:s7] =	ssyncadd.s32 $0xFFFF9C00  }
0x11: {  	[tilespmem:s9], [sflag:$0x1] =	stream.indirect.gather [hbm4b:s3+s8], $0x40, s2, s8, $0xb8;
	[tilespmem:$0xE800] =	vst v63  }
0x12: {  	s18 =	simm.s32 $0x0  }
0x13: {  	[tilespmem:s11], [sflag:$0x1] =	stream.indirect.gather [hbm4b:s3+s10], $0x40, s8, s10, $0xb8;
	[tilespmem:$0xE800] =	vst v63  }
.LBB2_2:
0x14: {  	s19 =	sshllo.u32 s18, $0x1  }
0x15: {  	s20 =	smul.u32 $0x320, s19;
	_ =	sdelay $0x1  }
0x16: {  	s20 =	sshra.s32 s20, $0x2  }
0x17: {  	[tilespmem:s12], [sflag:$0x2] =	stream.indirect.gather [hbm4b:s3+s8], $0x40, s20, s8, $0xb8;
	[tilespmem:$0xE800] =	vst v63  }
0x18: {  	s20 =	sadd.s32 $0x68, s20  }
0x19: {  	[tilespmem:s13], [sflag:$0x2] =	stream.indirect.gather [hbm4b:s3+s10], $0x40, s20, s10, $0xb8;
	[tilespmem:$0xE800] =	vst v63  }
0x1a: {  	_ =	swait.ge [sflag:s14], $0x1A00  }
0x1b: {  	[sflag:s14] =	ssyncset.done $0x0  }
0x1c: {  	[sflag:s14] =	ssyncadd.s32 $0xFFFFE600  }
0x1d: {  	_ =	swait.ge [sflag:s14], $0x1800  }
0x1e: {  	[sflag:s14] =	ssyncset.done $0x0  }
0x1f: {  	s22 =	simm.s32 $0x0;
	[sflag:s14] =	ssyncadd.s32 $0xFFFFE800  }
0x20: {  	v0 =	vld [tilespmem:s22+$0x6470]  }
0x21: {  	v1 =	vld [tilespmem:s22+$0x6400]  }
0x22: {  	v2 =	vld [tilespmem:s22+$0x6440]  }
0x23: {  	v5 =	vld [tilespmem:s22+$0x6410]  }
0x24: {  	v6 =	vld [tilespmem:s22+$0x6450]  }
0x25: {  	v3 =	vimm.f32 $0.0e+00;
	v4 =	vimm.f32 $0.0e+00;
	v7 =	vld [tilespmem:s22+$0x6420]  }
0x26: {  	v10 =	vimm.f32 $0.0e+00;
	v8 =	vimm.f32 $0.0e+00;
	v11 =	vld [tilespmem:s22+$0x6460];
	v0 =	vadd.f32 v0, v3  }
0x27: {  	s21 =	simm.s32 $0x400;
	v9 =	vimm.f32 $0.0e+00;
	s20 =	simm.s32 $0x80;
	v12 =	vld [tilespmem:s22+$0x6430];
	v1 =	vadd.f32 v1, v3;
	v2 =	vadd.f32 v2, v3  }
.LBB2_3:
0x28: {  	p0 =	sne.s32 s21, $0xC600;
	v13 =	vld [tilespmem:s20+$0x6470];
	v3 =	vadd.f32 v5, v3  }
0x29: {  	v14 =	vld [tilespmem:s20+$0x6400];
	v4 =	vadd.f32 v6, v4  }
0x2a: {  	v15 =	vld [tilespmem:s20+$0x6440];
	v10 =	vadd.f32 v7, v10  }
.Ltmp0:
0x2b: {  	v5 =	vld [tilespmem:s20+$0x6410];
	v8 =	vadd.f32 v11, v8;
	(pc) =	sbr.rel @p0 .LBB2_3-.Ltmp0, $4  }
0x2c: {  	v6 =	vld [tilespmem:s20+$0x6450];
	v9 =	vadd.f32 v12, v9  }
0x2d: {  	v7 =	vld [tilespmem:s20+$0x6420];
	v0 =	vadd.f32 v13, v0  }
0x2e: {  	v1 =	vadd.f32 v14, v1;
	v11 =	vld [tilespmem:s20+$0x6460]  }
0x2f: {  	v2 =	vadd.f32 v15, v2;
	v12 =	vld [tilespmem:s20+$0x6430];
	s20 =	sshra.s32 s21, $0x2;
	s21 =	sadd.s32 $0x200, s21  }
0x30: {  	v13 =	vld [tilespmem:s20+$0x6470]  }
0x31: {  	v14 =	vld [tilespmem:s20+$0x6400]  }
0x32: {  	v15 =	vld [tilespmem:s20+$0x6440]  }
0x33: {  	v16 =	vld [tilespmem:s20+$0x6410]  }
0x34: {  	v17 =	vld [tilespmem:s20+$0x6450]  }
0x35: {  	v3 =	vadd.f32 v5, v3;
	v5 =	vld [tilespmem:s20+$0x6420]  }
0x36: {  	v4 =	vadd.f32 v6, v4;
	v6 =	vadd.f32 v7, v10;
	v7 =	vld [tilespmem:s20+$0x6460]  }
0x37: {  	v10 =	vld [tilespmem:s20+$0x6430];
	v8 =	vadd.f32 v11, v8;
	v9 =	vadd.f32 v12, v9  }
0x38: {  	v0 =	vadd.f32 v13, v0;
	v1 =	vadd.f32 v14, v1  }
0x39: {  	v2 =	vadd.f32 v15, v2;
	v3 =	vadd.f32 v16, v3  }
0x3a: {  	v4 =	vadd.f32 v17, v4;
	v5 =	vadd.f32 v5, v6  }
0x3b: {  	v6 =	vadd.f32 v7, v8;
	v1 =	vadd.f32 v2, v1  }
0x3c: {  	v2 =	vadd.f32 v10, v9;
	v3 =	vadd.f32 v4, v3  }
0x3d: {  	s30 =	sshll.u32 s18, $0x7;
	v1 =	vmul.f32 $4.999999890e-03, v1;
	v4 =	vadd.f32 v6, v5  }
0x3e: {  	p0 =	seq.s32 s18, $0x3F;
	s20 =	sand.u32 $0x3FFFFF80, s30;
	v3 =	vmul.f32 $4.999999890e-03, v3;
	v0 =	vadd.f32 v0, v2  }
0x3f: {  	s21 =	smul.u32 @!p0 $0x640, s18;
	[tilespmem:s20+$0xC800] =	vst v1;
	v1 =	vmul.f32 $4.999999890e-03, v4  }
0x40: {  	[tilespmem:s20+$0xC810] =	vst v3;
	v0 =	vmul.f32 $4.999999890e-03, v0  }
0x41: {  	s21 =	sshra.s32 @!p0 s21, $0x2;
	[tilespmem:s20+$0xC820] =	vst v1  }
0x42: {  	s22 =	simm.s32 @!p0 $0x68;
	s23 =	simm.s32 @!p0 $0x6400;
	[tilespmem:s20+$0xC830] =	vst v0;
	s20 =	sadd.s32 @!p0 $0x190, s21  }
0x43: {  	[tilespmem:s23], [sflag:$0x1] =	stream.indirect.gather @!p0 [hbm4b:s3+s22], $0x40, s20, s22, $0xb8;
	[tilespmem:$0xE800] =	vst v63  }
0x44: {  	s20 =	sadd.s32 @!p0 $0x1F8, s21;
	s21 =	simm.s32 @!p0 $0x60;
	s22 =	simm.s32 @!p0 $0x7E00  }
0x45: {  	[tilespmem:s22], [sflag:$0x1] =	stream.indirect.gather @!p0 [hbm4b:s3+s21], $0x40, s20, s21, $0xb8;
	[tilespmem:$0xE800] =	vst v63  }
0x46: {  	_ =	swait.ge [sflag:s15], $0x1A00  }
0x47: {  	[sflag:s15] =	ssyncset.done $0x0  }
0x48: {  	[sflag:s15] =	ssyncadd.s32 $0xFFFFE600  }
0x49: {  	_ =	swait.ge [sflag:s15], $0x1800  }
0x4a: {  	[sflag:s15] =	ssyncset.done $0x0  }
0x4b: {  	s31 =	simm.s32 $0x0;
	[sflag:s15] =	ssyncadd.s32 $0xFFFFE800  }
0x4c: {  	v0 =	vld [tilespmem:s31+$0x9670]  }
0x4d: {  	v1 =	vld [tilespmem:s31+$0x9600]  }
0x4e: {  	v2 =	vld [tilespmem:s31+$0x9640]  }
0x4f: {  	v5 =	vld [tilespmem:s31+$0x9610]  }
0x50: {  	v6 =	vld [tilespmem:s31+$0x9650]  }
0x51: {  	v10 =	vimm.f32 $0.0e+00;
	v3 =	vimm.f32 $0.0e+00;
	v7 =	vld [tilespmem:s31+$0x9620]  }
0x52: {  	v8 =	vimm.f32 $0.0e+00;
	v9 =	vimm.f32 $0.0e+00;
	v11 =	vld [tilespmem:s31+$0x9660];
	v0 =	vadd.f32 v0, v3  }
0x53: {  	v4 =	vimm.f32 $0.0e+00;
	s20 =	simm.s32 $0x80;
	s21 =	simm.s32 $0x400;
	v12 =	vld [tilespmem:s31+$0x9630];
	v1 =	vadd.f32 v1, v3;
	v2 =	vadd.f32 v2, v3  }
.LBB2_5:
0x54: {  	p0 =	sne.s32 s21, $0xC600;
	v13 =	vld [tilespmem:s20+$0x9670];
	v3 =	vadd.f32 v5, v3  }
0x55: {  	v14 =	vld [tilespmem:s20+$0x9600];
	v4 =	vadd.f32 v6, v4  }
0x56: {  	v15 =	vld [tilespmem:s20+$0x9640];
	v10 =	vadd.f32 v7, v10  }
.Ltmp1:
0x57: {  	v5 =	vld [tilespmem:s20+$0x9610];
	v8 =	vadd.f32 v11, v8;
	(pc) =	sbr.rel @p0 .LBB2_5-.Ltmp1, $4  }
0x58: {  	v6 =	vld [tilespmem:s20+$0x9650];
	v9 =	vadd.f32 v12, v9  }
0x59: {  	v7 =	vld [tilespmem:s20+$0x9620];
	v0 =	vadd.f32 v13, v0  }
0x5a: {  	v1 =	vadd.f32 v14, v1;
	v11 =	vld [tilespmem:s20+$0x9660]  }
0x5b: {  	v2 =	vadd.f32 v15, v2;
	v12 =	vld [tilespmem:s20+$0x9630];
	s20 =	sshra.s32 s21, $0x2;
	s21 =	sadd.s32 $0x200, s21  }
0x5c: {  	v13 =	vld [tilespmem:s20+$0x9670]  }
0x5d: {  	v14 =	vld [tilespmem:s20+$0x9600]  }
0x5e: {  	v15 =	vld [tilespmem:s20+$0x9640]  }
0x5f: {  	v16 =	vld [tilespmem:s20+$0x9610]  }
0x60: {  	v17 =	vld [tilespmem:s20+$0x9650]  }
0x61: {  	v3 =	vadd.f32 v5, v3;
	v56 =	vld [tilespmem:s20+$0x9620]  }
0x62: {  	v58 =	vld [tilespmem:s20+$0x9660];
	v4 =	vadd.f32 v6, v4;
	v57 =	vadd.f32 v7, v10  }
0x63: {  	v59 =	vld [tilespmem:s20+$0x9630];
	v8 =	vadd.f32 v11, v8;
	v9 =	vadd.f32 v12, v9  }
0x64: {  	v0 =	vadd.f32 v13, v0;
	v1 =	vadd.f32 v14, v1  }
0x65: {  	v2 =	vadd.f32 v15, v2;
	v3 =	vadd.f32 v16, v3  }
0x66: {  	v4 =	vadd.f32 v17, v4;
	v5 =	vadd.f32 v56, v57  }
0x67: {  	v60 =	vadd.f32 v58, v8;
	v1 =	vadd.f32 v2, v1  }
0x68: {  	s18 =	sadd.s32 $0x1, s18;
	v61 =	vadd.f32 v59, v9;
	v3 =	vadd.f32 v4, v3  }
0x69: {  	s19 =	sshll.u32 s19, $0x6;
	p0 =	sne.s32 s18, $0x40;
	v62 =	vadd.f32 v60, v5;
	v1 =	vmul.f32 $4.999999890e-03, v1  }
.Ltmp2:
0x6a: {  	s19 =	sand.u32 $0x3FFFFFC0, s19;
	v0 =	vadd.f32 v0, v61;
	v3 =	vmul.f32 $4.999999890e-03, v3;
	(pc) =	sbr.rel @p0 .LBB2_2-.Ltmp2, $4  }
0x6b: {  	v63 =	vmul.f32 $4.999999890e-03, v62;
	[tilespmem:s19+$0xC800] =	vst v1  }
0x6c: {  	v0 =	vmul.f32 $4.999999890e-03, v0;
	[tilespmem:s19+$0xC810] =	vst v3  }
0x6d: {  	[tilespmem:s19+$0xC820] =	vst v63  }
0x6e: {  	[tilespmem:s19+$0xC830] =	vst v0  }
0x6f: {  	s17 =	sadd.s32 $0x1, s17  }
0x70: {  	p0 =	sne.s32 s17, s6  }
.Ltmp3:
0x71: {  	_ = 	snop;
	(pc) =	sbr.rel @p0 .LBB2_1-.Ltmp3, $4  }
0x72: {  	[hbm4b:s5+s2] =	stream.linear.scatter [tilespmem:s16], [sflag:$0x3], $0x2000, $0x38;
	[tilespmem:$0xE800] =	vst v63  }
0x73: {  	_ =	swait.ge [sflag:s7], $0x2000  }
0x74: {  	[sflag:s7] =	ssyncset.done $0x0  }
0x75: {  	[sflag:s7] =	ssyncadd.s32 $0xFFFFE000  }
0x76: {  	_ =	sfence.sel $0x180000  }
0x77: {  	[bflag:$0x0] =	sbarrier.arrive $0xFFFF  }
0x78: {  	p0 =	sne.s32 s0, $0x0;
	_ =	strace $0x90000047  }
0x79: {  	s0 =	sadd.s32 @!p0 $0x100000, s1;
	[bflag:$0x2] =	sbarrier.arrive $0xFFFF  }
0x7a: {  	[sflag:s0] =	ssyncadd.tile.s32 @!p0 $0x1;
	_ =	shalt  }
.Lfunc_end2:
_tile_overlayer_lowered:
.L_overlay_start_2:
0x7b: {  	(tag) =	ssettag $0x2  }
0x7c: {  	s0 =	rddreg [dreg:$0x0];
	s2 =	stileid.u32  }
0x7d: {  	s1 =	rddreg [dreg:$0x1];
	p0 =	sne.s32 s2, $0x0  }
0x7e: {  	s3 =	rddreg [dreg:$0x2];
	[bflag:$0x3] =	sbarrier.arrive $0xFFFF;
	s2 =	simm.s32 @!p0 $0x1C03  }
0x7f: {  	[timem:s3], [sflag:s2] =	dma.local @!p0 [hbm:s0], s1  }
0x80: {  	s0 =	simm.s32 @!p0 $0x3  }
0x81: {  	_ =	swait.ge @!p0 [sflag:s0], s1  }
0x82: {  	s1 =	ssub.s32 @!p0 $0x0, s1;
	[sflag:s0] =	ssyncset.done @!p0 $0x0  }
0x83: {  	[sflag:s0] =	ssyncadd.s32 @!p0 s1  }
0x84: {  	[bflag:$0x3] =	sbarrier.arrive $0xFFFF  }
0x85: {  	_ =	shalt  }

</sc_bundles>
